<compile_context>
chip_gen: v7x
topology: tpu7x:2x2x1
jax: 0.10.2.dev20260603
libtpu: 0.0.44.dev20260713+nightly
codegen_flags: <defaults>
</compile_context>

<pallas_src>
import jax
import jax.numpy as jnp
from jax import lax
from jax.experimental import pallas as pl
from jax.experimental.pallas import tpu as pltpu
from jax.experimental.pallas import tpu_sc as plsc

N_NODES = 10000
E_EDGES = 320000
D = 128
NC, NS = 2, 16
NW = NC * NS
E_PER_W = E_EDGES // NW
N_PAD = 10016
ROWS_PER_SUB = N_PAD // NS
MSG_K = 80

_mesh = plsc.VectorSubcoreMesh(core_axis_name="c", subcore_axis_name="s")
_sc_params = pltpu.CompilerParams(use_tc_tiling_on_sc=False)


def _zero_vmem(zrows, nrows, width):
    zv = jnp.zeros((16,), jnp.float32)

    @pl.loop(0, nrows)
    def _(i):
        @pl.loop(0, width, step=16)
        def _(j):
            zrows[i, pl.ds(j, 16)] = zv


def _zero_shared(zrows, znrows, acc_sh, sub, zsem):
    base = sub * ROWS_PER_SUB
    nfull = ROWS_PER_SUB // znrows
    rem = ROWS_PER_SUB % znrows

    @pl.loop(0, nfull)
    def _(j):
        pltpu.async_copy(zrows, acc_sh.at[pl.ds(base + j * znrows, znrows)],
                         zsem)

    if rem:
        pltpu.async_copy(zrows.at[pl.ds(0, rem)],
                         acc_sh.at[pl.ds(base + nfull * znrows, rem)], zsem)

    @pl.loop(0, nfull)
    def _(j):
        pltpu.make_async_copy(
            zrows, acc_sh.at[pl.ds(base + j * znrows, znrows)], zsem).wait()

    if rem:
        pltpu.make_async_copy(
            zrows.at[pl.ds(0, rem)],
            acc_sh.at[pl.ds(base + nfull * znrows, rem)], zsem).wait()


N_CHUNK = E_PER_W // MSG_K


def _deg_body(edge_hbm, degp_hbm, eff2_hbm, srcb, dstb, effb, ones_v, zrows,
              acc_sh, sem, zsem, esem):
    c = lax.axis_index("c")
    s = lax.axis_index("s")
    wid = c * NS + s
    row0 = wid * N_CHUNK

    pltpu.sync_copy(edge_hbm.at[0].at[pl.ds(wid * E_PER_W, E_PER_W)], srcb)
    pltpu.sync_copy(edge_hbm.at[1].at[pl.ds(wid * E_PER_W, E_PER_W)], dstb)

    @pl.loop(0, N_CHUNK)
    def _(j):
        @pl.loop(0, MSG_K, step=16)
        def _(i):
            sv = srcb[pl.ds(j * MSG_K + i, 16)]
            dv = dstb[pl.ds(j * MSG_K + i, 16)]
            effb[j, pl.ds(i, 16)] = jnp.where(sv == dv, N_NODES, dv)

    pltpu.async_copy(effb, eff2_hbm.at[pl.ds(row0, N_CHUNK)], esem)

    lanes = lax.iota(jnp.int32, 16)
    one_row = jnp.where(lanes == 0, 1.0, 0.0).astype(jnp.float32)

    @pl.loop(0, MSG_K)
    def _(i):
        ones_v[i, :] = one_row

    _zero_vmem(zrows, ZDEG, 16)
    _zero_shared(zrows, ZDEG, acc_sh, s, zsem)
    plsc.subcore_barrier()

    @pl.loop(0, N_CHUNK)
    def _(j):
        pltpu.async_copy(ones_v, acc_sh.at[effb.at[j]], sem, add=True)

    @pl.loop(0, N_CHUNK)
    def _(j):
        pltpu.make_async_copy(ones_v, acc_sh.at[effb.at[j]], sem).wait()

    pltpu.make_async_copy(effb, eff2_hbm.at[pl.ds(row0, N_CHUNK)], esem).wait()

    plsc.subcore_barrier()
    pltpu.sync_copy(acc_sh.at[pl.ds(s * ROWS_PER_SUB, ROWS_PER_SUB)],
                    degp_hbm.at[c].at[pl.ds(s * ROWS_PER_SUB, ROWS_PER_SUB)])


ZDEG = 128


@jax.jit
def _deg_pass(edge2):
    f = pl.kernel(
        _deg_body,
        out_type=(jax.ShapeDtypeStruct((NC, N_PAD, 16), jnp.float32),
                  jax.ShapeDtypeStruct((E_EDGES // MSG_K, MSG_K), jnp.int32)),
        mesh=_mesh,
        compiler_params=_sc_params,
        scratch_types=[
            pltpu.VMEM((E_PER_W,), jnp.int32),
            pltpu.VMEM((E_PER_W,), jnp.int32),
            pltpu.VMEM((N_CHUNK, MSG_K), jnp.int32),
            pltpu.VMEM((MSG_K, 16), jnp.float32),
            pltpu.VMEM((ZDEG, 16), jnp.float32),
            pltpu.VMEM_SHARED((N_PAD, 16), jnp.float32),
            pltpu.SemaphoreType.DMA,
            pltpu.SemaphoreType.DMA,
            pltpu.SemaphoreType.DMA,
        ],
    )
    return f(edge2)


def _msg_body(g_hbm, edge_hbm, eff2_hbm, accp_hbm,
              srcb, effb, rows_a, rows_b, rows_c, acc_sh,
              gsem_a, gsem_b, gsem_c, ssem_a, ssem_b, ssem_c):
    c = lax.axis_index("c")
    s = lax.axis_index("s")
    wid = c * NS + s
    row0 = wid * N_CHUNK

    pltpu.sync_copy(edge_hbm.at[0].at[pl.ds(wid * E_PER_W, E_PER_W)], srcb)
    pltpu.sync_copy(eff2_hbm.at[pl.ds(row0, N_CHUNK)], effb)
    _zero_vmem(rows_a, MSG_K, D)
    _zero_shared(rows_a, MSG_K, acc_sh, s, gsem_a)
    plsc.subcore_barrier()

    bufs = ((rows_a, gsem_a, ssem_a),
            (rows_b, gsem_b, ssem_b),
            (rows_c, gsem_c, ssem_c))

    def issue(j, b):
        rows_v, gsem, _ = bufs[b]
        pltpu.async_copy(g_hbm.at[srcb.at[pl.ds(j * MSG_K, MSG_K)]], rows_v,
                         gsem)

    def proc(j, b):
        rows_v, gsem, ssem = bufs[b]
        pltpu.make_async_copy(g_hbm.at[srcb.at[pl.ds(j * MSG_K, MSG_K)]],
                              rows_v, gsem).wait()
        pltpu.async_copy(rows_v, acc_sh.at[effb.at[j]], ssem, add=True)

    def drain(j, b):
        rows_v, _, ssem = bufs[b]
        pltpu.make_async_copy(rows_v, acc_sh.at[effb.at[j]], ssem).wait()

    def slot(j, drain_behind=True, gather_ahead=True):
        if drain_behind:
            drain(j - 2, (j + 1) % 3)
        if gather_ahead:
            issue(j + 1, (j + 1) % 3)
        proc(j, j % 3)

    issue(0, 0)
    slot(0, drain_behind=False)
    slot(1, drain_behind=False)

    @pl.loop(2, N_CHUNK - 3, step=3)
    def _(j):
        jj = j
        for k in range(3):
            b1 = (2 + k) % 3
            _slot_static(jj + k, b1, bufs, g_hbm, srcb, effb, acc_sh)

    slot(N_CHUNK - 3)
    slot(N_CHUNK - 2)
    slot(N_CHUNK - 1, gather_ahead=False)
    drain(N_CHUNK - 2, (N_CHUNK - 2) % 3)
    drain(N_CHUNK - 1, (N_CHUNK - 1) % 3)

    plsc.subcore_barrier()
    pltpu.sync_copy(acc_sh.at[pl.ds(s * ROWS_PER_SUB, ROWS_PER_SUB)],
                    accp_hbm.at[c].at[pl.ds(s * ROWS_PER_SUB, ROWS_PER_SUB)])


def _slot_static(j, b, bufs, g_hbm, srcb, effb, acc_sh):
    rows_d, _, ssem_d = bufs[(b + 1) % 3]
    pltpu.make_async_copy(rows_d, acc_sh.at[effb.at[j - 2]], ssem_d).wait()
    rows_g, gsem_g, _ = bufs[(b + 1) % 3]
    pltpu.async_copy(g_hbm.at[srcb.at[pl.ds((j + 1) * MSG_K, MSG_K)]], rows_g,
                     gsem_g)
    rows_v, gsem, ssem = bufs[b]
    pltpu.make_async_copy(g_hbm.at[srcb.at[pl.ds(j * MSG_K, MSG_K)]],
                          rows_v, gsem).wait()
    pltpu.async_copy(rows_v, acc_sh.at[effb.at[j]], ssem, add=True)


@jax.jit
def _msg_pass(g, edge2, eff2):
    f = pl.kernel(
        _msg_body,
        out_type=jax.ShapeDtypeStruct((NC, N_PAD, D), jnp.float32),
        mesh=_mesh,
        compiler_params=_sc_params,
        scratch_types=[
            pltpu.VMEM((E_PER_W,), jnp.int32),
            pltpu.VMEM((N_CHUNK, MSG_K), jnp.int32),
            pltpu.VMEM((MSG_K, D), jnp.float32),
            pltpu.VMEM((MSG_K, D), jnp.float32),
            pltpu.VMEM((MSG_K, D), jnp.float32),
            pltpu.VMEM_SHARED((N_PAD, D), jnp.float32),
            pltpu.SemaphoreType.DMA,
            pltpu.SemaphoreType.DMA,
            pltpu.SemaphoreType.DMA,
            pltpu.SemaphoreType.DMA,
            pltpu.SemaphoreType.DMA,
            pltpu.SemaphoreType.DMA,
        ],
    )
    return f(g, edge2, eff2)


def _dis_from_degp(degp_ref):
    deg = 1.0 + degp_ref[0, :, 0:1] + degp_ref[1, :, 0:1]
    return lax.rsqrt(deg)


def _stage_h_body(x_ref, w1_ref, h1_ref):
    h1_ref[...] = jnp.dot(x_ref[...], w1_ref[...],
                          preferred_element_type=jnp.float32)


def _stage_scale_body(h1_ref, degp_ref, g1_ref):
    g1_ref[...] = h1_ref[...] * _dis_from_degp(degp_ref)


def _stage_b_body(accp_ref, g1_ref, degp_ref, w2_ref, b1_ref, g2_ref):
    dis = _dis_from_degp(degp_ref)
    a = accp_ref[0] + accp_ref[1]
    out1 = jnp.maximum((a + g1_ref[...]) * dis + b1_ref[...], 0.0)
    h2 = jnp.dot(out1, w2_ref[...], preferred_element_type=jnp.float32)
    g2_ref[...] = h2 * dis


def _stage_c_body(accp_ref, g2_ref, degp_ref, b2_ref, out_ref):
    dis = _dis_from_degp(degp_ref)
    a = accp_ref[0] + accp_ref[1]
    out_ref[...] = (a + g2_ref[...]) * dis + b2_ref[...]


_TC_R = 2000

_g_spec = pl.BlockSpec((_TC_R, D), lambda i: (i, 0))
_degp_spec = pl.BlockSpec((NC, _TC_R, 16), lambda i: (0, i, 0))
_accp_spec = pl.BlockSpec((NC, _TC_R, D), lambda i: (0, i, 0))
_w_spec = pl.BlockSpec((D, D), lambda i: (0, 0))
_b_spec = pl.BlockSpec((1, D), lambda i: (0, 0))
_grid = (N_NODES // _TC_R,)
_g_shape = jax.ShapeDtypeStruct((N_NODES, D), jnp.float32)


@jax.jit
def _stage_h(x, w1):
    return pl.pallas_call(
        _stage_h_body,
        grid=_grid,
        in_specs=[_g_spec, _w_spec],
        out_specs=_g_spec,
        out_shape=_g_shape,
    )(x, w1)


@jax.jit
def _stage_scale(h1, degp):
    return pl.pallas_call(
        _stage_scale_body,
        grid=_grid,
        in_specs=[_g_spec, _degp_spec],
        out_specs=_g_spec,
        out_shape=_g_shape,
    )(h1, degp)


@jax.jit
def _stage_b(accp, g1, degp, w2, b1):
    return pl.pallas_call(
        _stage_b_body,
        grid=_grid,
        in_specs=[_accp_spec, _g_spec, _degp_spec, _w_spec, _b_spec],
        out_specs=_g_spec,
        out_shape=_g_shape,
    )(accp, g1, degp, w2, b1)


@jax.jit
def _stage_c(accp, g2, degp, b2):
    return pl.pallas_call(
        _stage_c_body,
        grid=_grid,
        in_specs=[_accp_spec, _g_spec, _degp_spec, _b_spec],
        out_specs=_g_spec,
        out_shape=_g_shape,
    )(accp, g2, degp, b2)


def kernel(x, edge_index, W1, b1, W2, b2):
    edge2 = edge_index.astype(jnp.int32)
    degp, eff2 = _deg_pass(edge2)
    h1 = _stage_h(x, W1)
    g1 = _stage_scale(h1, degp)
    acc1 = _msg_pass(g1, edge2, eff2)
    g2 = _stage_b(acc1, g1, degp, W2, b1.reshape(1, D))
    acc2 = _msg_pass(g2, edge2, eff2)
    return _stage_c(acc2, g2, degp, b2.reshape(1, D))

# --- scband reference (transcript-rebuilt; emitter-appended) ---
"""Pipeline reference for scband-gcn5-shot-9594956939361 (READ-ONLY COPY).

The authoritative reference and input builder live on the scoring server;
editing this copy changes nothing except your own understanding.
"""

import jax, jax.numpy as jnp
import numpy as np

N = 10000
E = 320000
D_IN = 128
D_HID = 128
D_OUT = 128


def setup_inputs(seed: int = 0) -> dict:
    key = jax.random.key(seed)
    k1, k2, k3, k4, k5, k6 = jax.random.split(key, 6)
    x = jax.random.normal(k1, (N, D_IN), dtype=jnp.float32)
    edge_index = jax.random.randint(k2, (2, E), 0, N, dtype=jnp.int64)
    # glorot-style init for GCNConv weights
    s1 = float(np.sqrt(6.0 / (D_IN + D_HID)))
    s2 = float(np.sqrt(6.0 / (D_HID + D_OUT)))
    W1 = jax.random.uniform(k3, (D_IN, D_HID), dtype=jnp.float32, minval=-s1, maxval=s1)
    b1 = jnp.zeros((D_HID,), dtype=jnp.float32)
    W2 = jax.random.uniform(k4, (D_HID, D_OUT), dtype=jnp.float32, minval=-s2, maxval=s2)
    b2 = jnp.zeros((D_OUT,), dtype=jnp.float32)
    return {"x": x, "edge_index": edge_index, "W1": W1, "b1": b1, "W2": W2, "b2": b2}


def _gcn_conv(x, W, b, src, dst, ew, n):
    # x' = D^{-1/2} A_hat D^{-1/2} (x W) + b ; A_hat edges carried in (src, dst, ew)
    h = x @ W
    deg = jnp.zeros((n,), dtype=jnp.float32).at[dst].add(ew)
    deg_inv_sqrt = jnp.where(deg > 0, jax.lax.rsqrt(jnp.maximum(deg, 1e-12)), 0.0)
    norm = deg_inv_sqrt[src] * ew * deg_inv_sqrt[dst]
    msg = jnp.take(h, src, axis=0) * norm[:, None]
    out = jnp.zeros((n, h.shape[1]), dtype=h.dtype).at[dst].add(msg)
    return out + b


def reference(x, edge_index, W1, b1, W2, b2):
    n = x.shape[0]
    src0 = edge_index[0]
    dst0 = edge_index[1]
    # remove_self_loops: zero-weight original self-loop edges; add_self_loops: append N loops
    keep = (src0 != dst0).astype(jnp.float32)
    loop = jnp.arange(n, dtype=src0.dtype)
    src = jnp.concatenate([src0, loop])
    dst = jnp.concatenate([dst0, loop])
    ew = jnp.concatenate([keep, jnp.ones((n,), dtype=jnp.float32)])
    h = _gcn_conv(x, W1, b1, src, dst, ew, n)
    h = jax.nn.relu(h)
    # dropout is identity in eval mode
    out = _gcn_conv(h, W2, b2, src, dst, ew, n)
    return out

if __name__ == "__main__":
    import jax
    _d = setup_inputs()
    print(jax.jit(kernel)(*tuple(_d.values())))

</pallas_src>

<mosaic_0001>
#map = affine_map<(d0, d1) -> (0, 0)>
#map1 = affine_map<(d0, d1) -> (0, 0, 0)>
module attributes {stable_mosaic.version = 14 : i64} {
  func.func @_deg_body(%arg0: i32, %arg1: i32, %arg2: memref<2x320000xi32, #tpu.memory_space<hbm>>, %arg3: memref<2x10016x16xf32, #tpu.memory_space<hbm>>, %arg4: memref<4000x80xi32, #tpu.memory_space<hbm>>, %arg5: memref<10000xi32, #tpu.memory_space<vmem>>, %arg6: memref<10000xi32, #tpu.memory_space<vmem>>, %arg7: memref<125x80xi32, #tpu.memory_space<vmem>>, %arg8: memref<80x16xf32, #tpu.memory_space<vmem>>, %arg9: memref<128x16xf32, #tpu.memory_space<vmem>>, %arg10: memref<10016x16xf32, #tpu.memory_space<vmem_shared>>, %arg11: memref<!tpu.dma_semaphore, #tpu.memory_space<semaphore_mem>>, %arg12: memref<!tpu.dma_semaphore, #tpu.memory_space<semaphore_mem>>, %arg13: memref<!tpu.dma_semaphore, #tpu.memory_space<semaphore_mem>>) attributes {dimension_semantics = [#tpu.dimension_semantics<core_parallel>, #tpu.dimension_semantics<subcore_parallel>], iteration_bounds = array<i64: 2, 16>, scalar_prefetch = 0 : i64, scratch_operands = 9 : i64, tpu.core_type = #tpu.core_type<sc_vector_subcore>, window_params = [{transform_indices = #map}, {transform_indices = #map1}, {transform_indices = #map}]} {
    %mul3A = arith.constant 16 : i32
    %mul3A_0 = arith.muli %arg0, %mul3A : i32
    %add3A = arith.addi %mul3A_0, %arg1 : i32
    %mul3A_1 = arith.constant 125 : i32
    %mul3A_2 = arith.muli %add3A, %mul3A_1 : i32
    %mul3A_3 = arith.constant 10000 : i32
    %mul3A_4 = arith.muli %add3A, %mul3A_3 : i32
    %run_scoped3A = arith.constant 0 : i32
    "tpu.region"() ({
      %run_scoped3A_85 = tpu.sem_alloc : memref<!tpu.dma_semaphore, #tpu.memory_space<semaphore_mem>>
      %dma_start3A_86 = arith.constant 0 : i32
      %dma_start3A_87 = tpu.memref_slice %arg2[%run_scoped3A, %dma_start3A_86] : memref<2x320000xi32, #tpu.memory_space<hbm>> -> memref<1x320000xi32, #tpu.memory_space<hbm>>
      %dma_start3A_88 = tpu.memref_squeeze %dma_start3A_87 : memref<1x320000xi32, #tpu.memory_space<hbm>> -> memref<320000xi32, #tpu.memory_space<hbm>>
      %dma_start3A_89 = tpu.memref_slice %dma_start3A_88[%mul3A_4] : memref<320000xi32, #tpu.memory_space<hbm>> -> memref<10000xi32, #tpu.memory_space<hbm>>
      %dma_start3A_90 = arith.constant 0 : i32
      %dma_start3A_91 = tpu.memref_slice %arg2[%run_scoped3A, %dma_start3A_90] : memref<2x320000xi32, #tpu.memory_space<hbm>> -> memref<1x320000xi32, #tpu.memory_space<hbm>>
      %dma_start3A_92 = tpu.memref_squeeze %dma_start3A_91 : memref<1x320000xi32, #tpu.memory_space<hbm>> -> memref<320000xi32, #tpu.memory_space<hbm>>
      %dma_start3A_93 = tpu.memref_slice %dma_start3A_92[%mul3A_4] : memref<320000xi32, #tpu.memory_space<hbm>> -> memref<10000xi32, #tpu.memory_space<hbm>>
      tpu.enqueue_dma source(%dma_start3A_93 : memref<10000xi32, #tpu.memory_space<hbm>>) target(%arg5 : memref<10000xi32, #tpu.memory_space<vmem>>) target_semaphore(%run_scoped3A_85 : memref<!tpu.dma_semaphore, #tpu.memory_space<semaphore_mem>>)
      %dma_wait3A_94 = arith.constant 0 : i32
      %dma_wait3A_95 = tpu.memref_slice %arg2[%run_scoped3A, %dma_wait3A_94] : memref<2x320000xi32, #tpu.memory_space<hbm>> -> memref<1x320000xi32, #tpu.memory_space<hbm>>
      %dma_wait3A_96 = tpu.memref_squeeze %dma_wait3A_95 : memref<1x320000xi32, #tpu.memory_space<hbm>> -> memref<320000xi32, #tpu.memory_space<hbm>>
      %dma_wait3A_97 = tpu.memref_slice %dma_wait3A_96[%mul3A_4] : memref<320000xi32, #tpu.memory_space<hbm>> -> memref<10000xi32, #tpu.memory_space<hbm>>
      %dma_wait3A_98 = arith.constant 0 : i32
      %dma_wait3A_99 = tpu.memref_slice %arg2[%run_scoped3A, %dma_wait3A_98] : memref<2x320000xi32, #tpu.memory_space<hbm>> -> memref<1x320000xi32, #tpu.memory_space<hbm>>
      %dma_wait3A_100 = tpu.memref_squeeze %dma_wait3A_99 : memref<1x320000xi32, #tpu.memory_space<hbm>> -> memref<320000xi32, #tpu.memory_space<hbm>>
      %dma_wait3A_101 = tpu.memref_slice %dma_wait3A_100[%mul3A_4] : memref<320000xi32, #tpu.memory_space<hbm>> -> memref<10000xi32, #tpu.memory_space<hbm>>
      tpu.wait_dma2 semaphore(%run_scoped3A_85 : memref<!tpu.dma_semaphore, #tpu.memory_space<semaphore_mem>>) src(%dma_wait3A_101 : memref<10000xi32, #tpu.memory_space<hbm>>) dst(%arg5 : memref<10000xi32, #tpu.memory_space<vmem>>)
      tpu.yield
    }) : () -> ()
    %mul3A_5 = arith.constant 10000 : i32
    %mul3A_6 = arith.muli %add3A, %mul3A_5 : i32
    %run_scoped3A_7 = arith.constant 1 : i32
    "tpu.region"() ({
      %run_scoped3A_85 = tpu.sem_alloc : memref<!tpu.dma_semaphore, #tpu.memory_space<semaphore_mem>>
      %dma_start3A_86 = arith.constant 0 : i32
      %dma_start3A_87 = tpu.memref_slice %arg2[%run_scoped3A_7, %dma_start3A_86] : memref<2x320000xi32, #tpu.memory_space<hbm>> -> memref<1x320000xi32, #tpu.memory_space<hbm>>
      %dma_start3A_88 = tpu.memref_squeeze %dma_start3A_87 : memref<1x320000xi32, #tpu.memory_space<hbm>> -> memref<320000xi32, #tpu.memory_space<hbm>>
      %dma_start3A_89 = tpu.memref_slice %dma_start3A_88[%mul3A_6] : memref<320000xi32, #tpu.memory_space<hbm>> -> memref<10000xi32, #tpu.memory_space<hbm>>
      %dma_start3A_90 = arith.constant 0 : i32
      %dma_start3A_91 = tpu.memref_slice %arg2[%run_scoped3A_7, %dma_start3A_90] : memref<2x320000xi32, #tpu.memory_space<hbm>> -> memref<1x320000xi32, #tpu.memory_space<hbm>>
      %dma_start3A_92 = tpu.memref_squeeze %dma_start3A_91 : memref<1x320000xi32, #tpu.memory_space<hbm>> -> memref<320000xi32, #tpu.memory_space<hbm>>
      %dma_start3A_93 = tpu.memref_slice %dma_start3A_92[%mul3A_6] : memref<320000xi32, #tpu.memory_space<hbm>> -> memref<10000xi32, #tpu.memory_space<hbm>>
      tpu.enqueue_dma source(%dma_start3A_93 : memref<10000xi32, #tpu.memory_space<hbm>>) target(%arg6 : memref<10000xi32, #tpu.memory_space<vmem>>) target_semaphore(%run_scoped3A_85 : memref<!tpu.dma_semaphore, #tpu.memory_space<semaphore_mem>>)
      %dma_wait3A_94 = arith.constant 0 : i32
      %dma_wait3A_95 = tpu.memref_slice %arg2[%run_scoped3A_7, %dma_wait3A_94] : memref<2x320000xi32, #tpu.memory_space<hbm>> -> memref<1x320000xi32, #tpu.memory_space<hbm>>
      %dma_wait3A_96 = tpu.memref_squeeze %dma_wait3A_95 : memref<1x320000xi32, #tpu.memory_space<hbm>> -> memref<320000xi32, #tpu.memory_space<hbm>>
      %dma_wait3A_97 = tpu.memref_slice %dma_wait3A_96[%mul3A_6] : memref<320000xi32, #tpu.memory_space<hbm>> -> memref<10000xi32, #tpu.memory_space<hbm>>
      %dma_wait3A_98 = arith.constant 0 : i32
      %dma_wait3A_99 = tpu.memref_slice %arg2[%run_scoped3A_7, %dma_wait3A_98] : memref<2x320000xi32, #tpu.memory_space<hbm>> -> memref<1x320000xi32, #tpu.memory_space<hbm>>
      %dma_wait3A_100 = tpu.memref_squeeze %dma_wait3A_99 : memref<1x320000xi32, #tpu.memory_space<hbm>> -> memref<320000xi32, #tpu.memory_space<hbm>>
      %dma_wait3A_101 = tpu.memref_slice %dma_wait3A_100[%mul3A_6] : memref<320000xi32, #tpu.memory_space<hbm>> -> memref<10000xi32, #tpu.memory_space<hbm>>
      tpu.wait_dma2 semaphore(%run_scoped3A_85 : memref<!tpu.dma_semaphore, #tpu.memory_space<semaphore_mem>>) src(%dma_wait3A_101 : memref<10000xi32, #tpu.memory_space<hbm>>) dst(%arg6 : memref<10000xi32, #tpu.memory_space<vmem>>)
      tpu.yield
    }) : () -> ()
    %scan3A = arith.constant 0 : i32
    %scan3A_8 = arith.constant 125 : i32
    %scan3A_9 = arith.addi %scan3A, %scan3A_8 : i32
    %scan3A_10 = arith.constant 1 : i32
    scf.for %scan3A_85 = %scan3A to %scan3A_9 step %scan3A_10  : i32 {
      %mul3A_86 = arith.constant 1 : i32
      %mul3A_87 = arith.muli %scan3A_85, %mul3A_86 : i32
      %add3A_88 = arith.constant 0 : i32
      %add3A_89 = arith.addi %add3A_88, %mul3A_87 : i32
      %scan3A_90 = arith.constant 0 : i32
      %scan3A_91 = arith.constant 5 : i32
      %scan3A_92 = arith.addi %scan3A_90, %scan3A_91 : i32
      %scan3A_93 = arith.constant 1 : i32
      scf.for %scan3A_95 = %scan3A_90 to %scan3A_92 step %scan3A_93  : i32 {
        %mul3A_96 = arith.constant 16 : i32
        %mul3A_97 = arith.muli %scan3A_95, %mul3A_96 : i32
        %add3A_98 = arith.constant 0 : i32
        %add3A_99 = arith.addi %add3A_98, %mul3A_97 : i32
        %mul3A_100 = arith.constant 80 : i32
        %mul3A_101 = arith.muli %add3A_89, %mul3A_100 : i32
        %add3A_102 = arith.addi %mul3A_101, %add3A_99 : i32
        %get3A = arith.index_cast %add3A_102 : i32 to index
        %get3A_103 = tpu.vector_load %arg5[%get3A] {strides = array<i32>} : memref<10000xi32, #tpu.memory_space<vmem>>, vector<16xi32>,
        %get3A_104 = vector.shape_cast %get3A_103 : vector<16xi32> to vector<16xi32>
        %mul3A_105 = arith.constant 80 : i32
        %mul3A_106 = arith.muli %add3A_89, %mul3A_105 : i32
        %add3A_107 = arith.addi %mul3A_106, %add3A_99 : i32
        %get3A_108 = arith.index_cast %add3A_107 : i32 to index
        %get3A_109 = tpu.vector_load %arg6[%get3A_108] {strides = array<i32>} : memref<10000xi32, #tpu.memory_space<vmem>>, vector<16xi32>,
        %get3A_110 = vector.shape_cast %get3A_109 : vector<16xi32> to vector<16xi32>
        %eq3A_111 = arith.cmpi eq, %get3A_104, %get3A_110 : vector<16xi32>
        %jit3A_112 = arith.constant 10000 : i32
        %broadcast_in_dim3A_113 = vector.broadcast %jit3A_112 : i32 to vector<16xi32>
        %select_n3A_114 = arith.select %eq3A_111, %broadcast_in_dim3A_113, %get3A_110 : vector<16xi1>, vector<16xi32>
        %swap3A = arith.index_cast %add3A_89 : i32 to index
        %swap3A_115 = arith.index_cast %add3A_99 : i32 to index
        %swap3A_116 = tpu.vector_load %arg7[%swap3A, %swap3A_115] {strides = array<i32>} : memref<125x80xi32, #tpu.memory_space<vmem>>, vector<1x16xi32>,
        %swap3A_117 = vector.shape_cast %swap3A_116 : vector<1x16xi32> to vector<16xi32>
        %swap3A_118 = vector.shape_cast %select_n3A_114 : vector<16xi32> to vector<1x16xi32>
        tpu.vector_store %arg7[%swap3A, %swap3A_115], %swap3A_118 {strides = array<i32>} : memref<125x80xi32, #tpu.memory_space<vmem>>, vector<1x16xi32>,
      }
      %scan3A_94 = arith.constant 5 : i32
    }
    %scan3A_11 = arith.constant 125 : i32
    %dma_start3A = arith.constant 0 : i32
    %dma_start3A_12 = tpu.memref_slice %arg4[%mul3A_2, %dma_start3A] : memref<4000x80xi32, #tpu.memory_space<hbm>> -> memref<125x80xi32, #tpu.memory_space<hbm>>
    %dma_start3A_13 = arith.constant 0 : i32
    %dma_start3A_14 = tpu.memref_slice %arg4[%mul3A_2, %dma_start3A_13] : memref<4000x80xi32, #tpu.memory_space<hbm>> -> memref<125x80xi32, #tpu.memory_space<hbm>>
    tpu.enqueue_dma source(%arg7 : memref<125x80xi32, #tpu.memory_space<vmem>>) target(%dma_start3A_14 : memref<125x80xi32, #tpu.memory_space<hbm>>) target_semaphore(%arg13 : memref<!tpu.dma_semaphore, #tpu.memory_space<semaphore_mem>>)
    %iota3A = tpu.iota {dimensions = array<i32: 0>} : vector<16xi32>
    %eq3A = arith.constant 0 : i32
    %eq3A_15 = vector.broadcast %eq3A : i32 to vector<16xi32>
    %eq3A_16 = arith.cmpi eq, %iota3A, %eq3A_15 : vector<16xi32>
    %jit3A = arith.constant 1.000000e+00 : f32
    %jit3A_17 = arith.constant 0.000000e+00 : f32
    %broadcast_in_dim3A = vector.broadcast %jit3A : f32 to vector<16xf32>
    %broadcast_in_dim3A_18 = vector.broadcast %jit3A_17 : f32 to vector<16xf32>
    %select_n3A = arith.select %eq3A_16, %broadcast_in_dim3A, %broadcast_in_dim3A_18 : vector<16xi1>, vector<16xf32>
    %scan3A_19 = arith.constant 0 : i32
    %scan3A_20 = arith.constant 80 : i32
    %scan3A_21 = arith.addi %scan3A_19, %scan3A_20 : i32
    %scan3A_22 = arith.constant 1 : i32
    scf.for %scan3A_85 = %scan3A_19 to %scan3A_21 step %scan3A_22  : i32 {
      %mul3A_86 = arith.constant 1 : i32
      %mul3A_87 = arith.muli %scan3A_85, %mul3A_86 : i32
      %add3A_88 = arith.constant 0 : i32
      %add3A_89 = arith.addi %add3A_88, %mul3A_87 : i32
      %swap3A = arith.index_cast %add3A_89 : i32 to index
      %swap3A_90 = arith.constant 0 : index
      %swap3A_91 = tpu.vector_load %arg8[%swap3A, %swap3A_90] {strides = array<i32>} : memref<80x16xf32, #tpu.memory_space<vmem>>, vector<1x16xf32>,
      %swap3A_92 = vector.shape_cast %swap3A_91 : vector<1x16xf32> to vector<16xf32>
      %swap3A_93 = vector.shape_cast %select_n3A : vector<16xf32> to vector<1x16xf32>
      tpu.vector_store %arg8[%swap3A, %swap3A_90], %swap3A_93 {strides = array<i32>} : memref<80x16xf32, #tpu.memory_space<vmem>>, vector<1x16xf32>,
    }
    %scan3A_23 = arith.constant 80 : i32
    %broadcast_in_dim3A_24 = arith.constant 0.000000e+00 : f32
    %broadcast_in_dim3A_25 = vector.broadcast %broadcast_in_dim3A_24 : f32 to vector<16xf32>
    %scan3A_26 = arith.constant 0 : i32
    %scan3A_27 = arith.constant 128 : i32
    %scan3A_28 = arith.addi %scan3A_26, %scan3A_27 : i32
    %scan3A_29 = arith.constant 1 : i32
    scf.for %scan3A_85 = %scan3A_26 to %scan3A_28 step %scan3A_29  : i32 {
      %mul3A_86 = arith.constant 1 : i32
      %mul3A_87 = arith.muli %scan3A_85, %mul3A_86 : i32
      %add3A_88 = arith.constant 0 : i32
      %add3A_89 = arith.addi %add3A_88, %mul3A_87 : i32
      %scan3A_90 = arith.constant 0 : i32
      %mul3A_91 = arith.constant 16 : i32
      %mul3A_92 = arith.muli %scan3A_90, %mul3A_91 : i32
      %add3A_93 = arith.constant 0 : i32
      %add3A_94 = arith.addi %add3A_93, %mul3A_92 : i32
      %swap3A = arith.index_cast %add3A_89 : i32 to index
      %swap3A_95 = arith.index_cast %add3A_94 : i32 to index
      %swap3A_96 = tpu.vector_load %arg9[%swap3A, %swap3A_95] {strides = array<i32>} : memref<128x16xf32, #tpu.memory_space<vmem>>, vector<1x16xf32>,
      %swap3A_97 = vector.shape_cast %swap3A_96 : vector<1x16xf32> to vector<16xf32>
      %swap3A_98 = vector.shape_cast %broadcast_in_dim3A_25 : vector<16xf32> to vector<1x16xf32>
      tpu.vector_store %arg9[%swap3A, %swap3A_95], %swap3A_98 {strides = array<i32>} : memref<128x16xf32, #tpu.memory_space<vmem>>, vector<1x16xf32>,
      %scan3A_99 = arith.constant 1 : i32
    }
    %scan3A_30 = arith.constant 128 : i32
    %mul3A_31 = arith.constant 626 : i32
    %mul3A_32 = arith.muli %arg1, %mul3A_31 : i32
    %scan3A_33 = arith.constant 0 : i32
    %scan3A_34 = arith.constant 4 : i32
    %scan3A_35 = arith.addi %scan3A_33, %scan3A_34 : i32
    %scan3A_36 = arith.constant 1 : i32
    scf.for %scan3A_85 = %scan3A_33 to %scan3A_35 step %scan3A_36  : i32 {
      %mul3A_86 = arith.constant 1 : i32
      %mul3A_87 = arith.muli %scan3A_85, %mul3A_86 : i32
      %add3A_88 = arith.constant 0 : i32
      %add3A_89 = arith.addi %add3A_88, %mul3A_87 : i32
      %mul3A_90 = arith.constant 128 : i32
      %mul3A_91 = arith.muli %add3A_89, %mul3A_90 : i32
      %add3A_92 = arith.addi %mul3A_32, %mul3A_91 : i32
      %dma_start3A_93 = arith.constant 0 : i32
      %dma_start3A_94 = tpu.memref_slice %arg10[%add3A_92, %dma_start3A_93] : memref<10016x16xf32, #tpu.memory_space<vmem_shared>> -> memref<128x16xf32, #tpu.memory_space<vmem_shared>>
      %dma_start3A_95 = arith.constant 0 : i32
      %dma_start3A_96 = tpu.memref_slice %arg10[%add3A_92, %dma_start3A_95] : memref<10016x16xf32, #tpu.memory_space<vmem_shared>> -> memref<128x16xf32, #tpu.memory_space<vmem_shared>>
      tpu.enqueue_dma source(%arg9 : memref<128x16xf32, #tpu.memory_space<vmem>>) target(%dma_start3A_96 : memref<128x16xf32, #tpu.memory_space<vmem_shared>>) target_semaphore(%arg12 : memref<!tpu.dma_semaphore, #tpu.memory_space<semaphore_mem>>)
    }
    %scan3A_37 = arith.constant 4 : i32
    %add3A_38 = arith.constant 512 : i32
    %add3A_39 = arith.addi %mul3A_32, %add3A_38 : i32
    %dma_start3A_40 = arith.constant 0 : i32
    %dma_start3A_41 = arith.constant 0 : i32
    %dma_start3A_42 = tpu.memref_slice %arg9[%dma_start3A_40, %dma_start3A_41] : memref<128x16xf32, #tpu.memory_space<vmem>> -> memref<114x16xf32, #tpu.memory_space<vmem>>
    %dma_start3A_43 = arith.constant 0 : i32
    %dma_start3A_44 = tpu.memref_slice %arg10[%add3A_39, %dma_start3A_43] : memref<10016x16xf32, #tpu.memory_space<vmem_shared>> -> memref<114x16xf32, #tpu.memory_space<vmem_shared>>
    %dma_start3A_45 = arith.constant 0 : i32
    %dma_start3A_46 = tpu.memref_slice %arg10[%add3A_39, %dma_start3A_45] : memref<10016x16xf32, #tpu.memory_space<vmem_shared>> -> memref<114x16xf32, #tpu.memory_space<vmem_shared>>
    %dma_start3A_47 = arith.constant 0 : i32
    %dma_start3A_48 = arith.constant 0 : i32
    %dma_start3A_49 = tpu.memref_slice %arg9[%dma_start3A_47, %dma_start3A_48] : memref<128x16xf32, #tpu.memory_space<vmem>> -> memref<114x16xf32, #tpu.memory_space<vmem>>
    tpu.enqueue_dma source(%dma_start3A_49 : memref<114x16xf32, #tpu.memory_space<vmem>>) target(%dma_start3A_46 : memref<114x16xf32, #tpu.memory_space<vmem_shared>>) target_semaphore(%arg12 : memref<!tpu.dma_semaphore, #tpu.memory_space<semaphore_mem>>)
    %scan3A_50 = arith.constant 0 : i32
    %scan3A_51 = arith.constant 4 : i32
    %scan3A_52 = arith.addi %scan3A_50, %scan3A_51 : i32
    %scan3A_53 = arith.constant 1 : i32
    scf.for %scan3A_85 = %scan3A_50 to %scan3A_52 step %scan3A_53  : i32 {
      %mul3A_86 = arith.constant 1 : i32
      %mul3A_87 = arith.muli %scan3A_85, %mul3A_86 : i32
      %add3A_88 = arith.constant 0 : i32
      %add3A_89 = arith.addi %add3A_88, %mul3A_87 : i32
      %mul3A_90 = arith.constant 128 : i32
      %mul3A_91 = arith.muli %add3A_89, %mul3A_90 : i32
      %add3A_92 = arith.addi %mul3A_32, %mul3A_91 : i32
      %dma_wait3A_93 = arith.constant 0 : i32
      %dma_wait3A_94 = tpu.memref_slice %arg10[%add3A_92, %dma_wait3A_93] : memref<10016x16xf32, #tpu.memory_space<vmem_shared>> -> memref<128x16xf32, #tpu.memory_space<vmem_shared>>
      %dma_wait3A_95 = arith.constant 0 : i32
      %dma_wait3A_96 = tpu.memref_slice %arg10[%add3A_92, %dma_wait3A_95] : memref<10016x16xf32, #tpu.memory_space<vmem_shared>> -> memref<128x16xf32, #tpu.memory_space<vmem_shared>>
      tpu.wait_dma2 semaphore(%arg12 : memref<!tpu.dma_semaphore, #tpu.memory_space<semaphore_mem>>) src(%arg9 : memref<128x16xf32, #tpu.memory_space<vmem>>) dst(%dma_wait3A_96 : memref<128x16xf32, #tpu.memory_space<vmem_shared>>)
    }
    %scan3A_54 = arith.constant 4 : i32
    %add3A_55 = arith.constant 512 : i32
    %add3A_56 = arith.addi %mul3A_32, %add3A_55 : i32
    %dma_wait3A = arith.constant 0 : i32
    %dma_wait3A_57 = arith.constant 0 : i32
    %dma_wait3A_58 = tpu.memref_slice %arg9[%dma_wait3A, %dma_wait3A_57] : memref<128x16xf32, #tpu.memory_space<vmem>> -> memref<114x16xf32, #tpu.memory_space<vmem>>
    %dma_wait3A_59 = arith.constant 0 : i32
    %dma_wait3A_60 = tpu.memref_slice %arg10[%add3A_56, %dma_wait3A_59] : memref<10016x16xf32, #tpu.memory_space<vmem_shared>> -> memref<114x16xf32, #tpu.memory_space<vmem_shared>>
    %dma_wait3A_61 = arith.constant 0 : i32
    %dma_wait3A_62 = tpu.memref_slice %arg10[%add3A_56, %dma_wait3A_61] : memref<10016x16xf32, #tpu.memory_space<vmem_shared>> -> memref<114x16xf32, #tpu.memory_space<vmem_shared>>
    %dma_wait3A_63 = arith.constant 0 : i32
    %dma_wait3A_64 = arith.constant 0 : i32
    %dma_wait3A_65 = tpu.memref_slice %arg9[%dma_wait3A_63, %dma_wait3A_64] : memref<128x16xf32, #tpu.memory_space<vmem>> -> memref<114x16xf32, #tpu.memory_space<vmem>>
    tpu.wait_dma2 semaphore(%arg12 : memref<!tpu.dma_semaphore, #tpu.memory_space<semaphore_mem>>) src(%dma_wait3A_65 : memref<114x16xf32, #tpu.memory_space<vmem>>) dst(%dma_wait3A_62 : memref<114x16xf32, #tpu.memory_space<vmem_shared>>)
    %barrier3A = arith.constant 0 : index
    tpu.barrier barrier_id(%barrier3A)
    %scan3A_66 = arith.constant 0 : i32
    %scan3A_67 = arith.constant 125 : i32
    %scan3A_68 = arith.addi %scan3A_66, %scan3A_67 : i32
    %scan3A_69 = arith.constant 1 : i32
    scf.for %scan3A_85 = %scan3A_66 to %scan3A_68 step %scan3A_69  : i32 {
      %mul3A_86 = arith.constant 1 : i32
      %mul3A_87 = arith.muli %scan3A_85, %mul3A_86 : i32
      %add3A_88 = arith.constant 0 : i32
      %add3A_89 = arith.addi %add3A_88, %mul3A_87 : i32
      %dma_start3A_90 = arith.constant 0 : i32
      %dma_start3A_91 = tpu.memref_slice %arg7[%add3A_89, %dma_start3A_90] : memref<125x80xi32, #tpu.memory_space<vmem>> -> memref<1x80xi32, #tpu.memory_space<vmem>>
      %dma_start3A_92 = tpu.memref_squeeze %dma_start3A_91 : memref<1x80xi32, #tpu.memory_space<vmem>> -> memref<80xi32, #tpu.memory_space<vmem>>
      %dma_start3A_93 = arith.constant 0 : i32
      %dma_start3A_94 = arith.constant 0 : i32
      %dma_start3A_95 = tpu.memref_slice %arg10[%dma_start3A_93, %dma_start3A_94] : memref<10016x16xf32, #tpu.memory_space<vmem_shared>> -> memref<10016x16xf32, #tpu.memory_space<vmem_shared>>
      tpu.enqueue_indirect_dma source(%arg8 : memref<80x16xf32, #tpu.memory_space<vmem>>) target(%dma_start3A_95 : memref<10016x16xf32, #tpu.memory_space<vmem_shared>>) offsets(%dma_start3A_92 : memref<80xi32, #tpu.memory_space<vmem>>) semaphore(%arg11 : memref<!tpu.dma_semaphore, #tpu.memory_space<semaphore_mem>>) {add = true}
    }
    %scan3A_70 = arith.constant 125 : i32
    %scan3A_71 = arith.constant 0 : i32
    %scan3A_72 = arith.constant 125 : i32
    %scan3A_73 = arith.addi %scan3A_71, %scan3A_72 : i32
    %scan3A_74 = arith.constant 1 : i32
    scf.for %scan3A_85 = %scan3A_71 to %scan3A_73 step %scan3A_74  : i32 {
      %mul3A_86 = arith.constant 1 : i32
      %mul3A_87 = arith.muli %scan3A_85, %mul3A_86 : i32
      %add3A_88 = arith.constant 0 : i32
      %add3A_89 = arith.addi %add3A_88, %mul3A_87 : i32
      %dma_wait3A_90 = arith.constant 0 : i32
      %dma_wait3A_91 = tpu.memref_slice %arg7[%add3A_89, %dma_wait3A_90] : memref<125x80xi32, #tpu.memory_space<vmem>> -> memref<1x80xi32, #tpu.memory_space<vmem>>
      %dma_wait3A_92 = tpu.memref_squeeze %dma_wait3A_91 : memref<1x80xi32, #tpu.memory_space<vmem>> -> memref<80xi32, #tpu.memory_space<vmem>>
      %dma_wait3A_93 = arith.constant 0 : i32
      %dma_wait3A_94 = arith.constant 0 : i32
      %dma_wait3A_95 = tpu.memref_slice %arg10[%dma_wait3A_93, %dma_wait3A_94] : memref<10016x16xf32, #tpu.memory_space<vmem_shared>> -> memref<10016x16xf32, #tpu.memory_space<vmem_shared>>
      tpu.wait_indirect_dma semaphore(%arg11 : memref<!tpu.dma_semaphore, #tpu.memory_space<semaphore_mem>>) src(%arg8 : memref<80x16xf32, #tpu.memory_space<vmem>>) dst(%dma_wait3A_95 : memref<10016x16xf32, #tpu.memory_space<vmem_shared>>)
    }
    %scan3A_75 = arith.constant 125 : i32
    %dma_wait3A_76 = arith.constant 0 : i32
    %dma_wait3A_77 = tpu.memref_slice %arg4[%mul3A_2, %dma_wait3A_76] : memref<4000x80xi32, #tpu.memory_space<hbm>> -> memref<125x80xi32, #tpu.memory_space<hbm>>
    %dma_wait3A_78 = arith.constant 0 : i32
    %dma_wait3A_79 = tpu.memref_slice %arg4[%mul3A_2, %dma_wait3A_78] : memref<4000x80xi32, #tpu.memory_space<hbm>> -> memref<125x80xi32, #tpu.memory_space<hbm>>
    tpu.wait_dma2 semaphore(%arg13 : memref<!tpu.dma_semaphore, #tpu.memory_space<semaphore_mem>>) src(%arg7 : memref<125x80xi32, #tpu.memory_space<vmem>>) dst(%dma_wait3A_79 : memref<125x80xi32, #tpu.memory_space<hbm>>)
    %barrier3A_80 = arith.constant 0 : index
    tpu.barrier barrier_id(%barrier3A_80)
    %mul3A_81 = arith.constant 626 : i32
    %mul3A_82 = arith.muli %arg1, %mul3A_81 : i32
    %mul3A_83 = arith.constant 626 : i32
    %mul3A_84 = arith.muli %arg1, %mul3A_83 : i32
    "tpu.region"() ({
      %run_scoped3A_85 = tpu.sem_alloc : memref<!tpu.dma_semaphore, #tpu.memory_space<semaphore_mem>>
      %dma_start3A_86 = arith.constant 0 : i32
      %dma_start3A_87 = arith.constant 0 : i32
      %dma_start3A_88 = tpu.memref_slice %arg3[%arg0, %dma_start3A_86, %dma_start3A_87] : memref<2x10016x16xf32, #tpu.memory_space<hbm>> -> memref<1x10016x16xf32, #tpu.memory_space<hbm>>
      %dma_start3A_89 = tpu.memref_squeeze %dma_start3A_88 : memref<1x10016x16xf32, #tpu.memory_space<hbm>> -> memref<10016x16xf32, #tpu.memory_space<hbm>>
      %dma_start3A_90 = arith.constant 0 : i32
      %dma_start3A_91 = tpu.memref_slice %dma_start3A_89[%mul3A_84, %dma_start3A_90] : memref<10016x16xf32, #tpu.memory_space<hbm>> -> memref<626x16xf32, #tpu.memory_space<hbm>>
      %dma_start3A_92 = arith.constant 0 : i32
      %dma_start3A_93 = tpu.memref_slice %arg10[%mul3A_82, %dma_start3A_92] : memref<10016x16xf32, #tpu.memory_space<vmem_shared>> -> memref<626x16xf32, #tpu.memory_space<vmem_shared>>
      tpu.enqueue_dma source(%dma_start3A_93 : memref<626x16xf32, #tpu.memory_space<vmem_shared>>) target(%dma_start3A_91 : memref<626x16xf32, #tpu.memory_space<hbm>>) target_semaphore(%run_scoped3A_85 : memref<!tpu.dma_semaphore, #tpu.memory_space<semaphore_mem>>)
      %dma_wait3A_94 = arith.constant 0 : i32
      %dma_wait3A_95 = arith.constant 0 : i32
      %dma_wait3A_96 = tpu.memref_slice %arg3[%arg0, %dma_wait3A_94, %dma_wait3A_95] : memref<2x10016x16xf32, #tpu.memory_space<hbm>> -> memref<1x10016x16xf32, #tpu.memory_space<hbm>>
      %dma_wait3A_97 = tpu.memref_squeeze %dma_wait3A_96 : memref<1x10016x16xf32, #tpu.memory_space<hbm>> -> memref<10016x16xf32, #tpu.memory_space<hbm>>
      %dma_wait3A_98 = arith.constant 0 : i32
      %dma_wait3A_99 = tpu.memref_slice %dma_wait3A_97[%mul3A_84, %dma_wait3A_98] : memref<10016x16xf32, #tpu.memory_space<hbm>> -> memref<626x16xf32, #tpu.memory_space<hbm>>
      %dma_wait3A_100 = arith.constant 0 : i32
      %dma_wait3A_101 = tpu.memref_slice %arg10[%mul3A_82, %dma_wait3A_100] : memref<10016x16xf32, #tpu.memory_space<vmem_shared>> -> memref<626x16xf32, #tpu.memory_space<vmem_shared>>
      tpu.wait_dma2 semaphore(%run_scoped3A_85 : memref<!tpu.dma_semaphore, #tpu.memory_space<semaphore_mem>>) src(%dma_wait3A_101 : memref<626x16xf32, #tpu.memory_space<vmem_shared>>) dst(%dma_wait3A_99 : memref<626x16xf32, #tpu.memory_space<hbm>>)
      tpu.yield
    }) : () -> ()
    return
  }
}

</mosaic_0001>

<sc_bundles>
// kernel: _deg_pass.3.cloned.1.call-start
scs
__scs_entry_jumppad:
0x0: {  	(pc) =	sbr.rel $0x88, $3  }
0x1: {  	(tag) =	ssettag $0x0;
	lr =	simm.s32 $0x1  }
0x2: {  	[smem:$0x3FA0] =	sst lr;
	_ =	strace $0xD0000000  }
0x3: {  	_ = 	snop  }
0x4: {  	_ = 	snop  }
0x5: {  	_ = 	snop  }
0x6: {  	_ = 	snop  }
0x7: {  	_ = 	snop  }
__scs_overlays_trampoline_lowered:
0x8: {  	[smem:$0x3FAF] =	sst s0  }
0x9: {  	[smem:$0x3FB0] =	sst s1  }
0xa: {  	[smem:$0x3FB1] =	sst s2  }
0xb: {  	[smem:$0x3FB2] =	sst s3  }
0xc: {  	[smem:$0x3FB3] =	sst s4  }
0xd: {  	[smem:$0x3FB4] =	sst s5  }
0xe: {  	[smem:$0x3FB5] =	sst s6  }
0xf: {  	[smem:$0x3FB6] =	sst s7  }
0x10: {  	[smem:$0x3FB7] =	sst s8  }
0x11: {  	[smem:$0x3FB8] =	sst s9;
	s0 =	simm.s32 @!p0 $0x0  }
0x12: {  	s1 =	sld [smem:$0x3F9E];
	s0 =	simm.s32 @p0 $0x1  }
0x13: {  	[smem:$0x3FB9] =	sst s0;
	s0 =	simm.s32 @!p1 $0x0  }
0x14: {  	s2 =	sld [smem:$0x3F9D];
	s0 =	simm.s32 @p1 $0x1  }
0x15: {  	[smem:$0x3FBA] =	sst s0;
	s0 =	simm.s32 @!p2 $0x0  }
0x16: {  	s3 =	sld [smem:$0x3FDB];
	s0 =	simm.s32 @p2 $0x1  }
0x17: {  	s4 =	simm.s32 $0x1BF5;
	[smem:$0x3FBC] =	sst s0  }
0x18: {  	s0 =	sld [smem:$0x3F9F];
	_ =	swait.ge [sflag:s4], $0x0  }
0x19: {  	s7 =	sld [smem:$0x3FA0]  }
0x1a: {  	s8 =	sadd.s32 $0xFFFFE003, lr  }
0x1b: {  	s9 =	sadd.s32 $0xFFFFFEF7, lr;
	s5 =	simm.s32 $0xFFFFFFFF;
	p2 =	slt.u32 s8, $0xFFFFF086  }
0x1c: {  	p1 =	slt.u32 s9, $0xF7A;
	s5 =	simm.s32 @!p2 $0x0  }
0x1d: {  	s5 =	simm.s32 @p1 $0x1;
	p0 =	seq.s32 s7, s2  }
0x1e: {  	s7 =	smul.u32 @!p0 $0xF7A, s2;
	p2 =	seq.s32 @!p0 s5, $0x0  }
0x1f: {  	s9 =	smul.u32 $0xF7A, s1;
	s8 =	simm.s32 @!p0 $0x1BF5;
	p2 =	por !p2, p0  }
0x20: {  	[sflag:s8] =	ssyncset.s32 @!p0 $0xFFFFF086;
	s6 =	sadd.s32 @!p0 s3, s7;
	s7 =	simm.s32 @!p0 $0x108  }
0x21: {  	s3 =	sadd.s32 s3, s9;
	s6 =	sadd.s32 @!p0 $0x88, s6;
	s7 =	simm.s32 @p2 $0x1082  }
0x22: {  	[simem:s7], [sflag:s8] =	dma.local @!p0 [hbm:s6], $0xF7A  }
0x23: {  	s9 =	sor.u32 $0xD0000000, s2;
	s6 =	simm.s32 $0x108;
	_ =	swait.ge @!p0 [sflag:s8], $0x0  }
0x24: {  	s3 =	sadd.s32 $0x88, s3;
	s6 =	simm.s32 @!p1 $0x1082;
	[sflag:s4] =	ssyncset.s32 $0xFFFFF086  }
0x25: {  	[simem:s6], [sflag:s4] =	dma.local [hbm:s3], $0xF7A  }
0x26: {  	[smem:$0x3FA0] =	sst s1;
	(tag) =	ssettag s2;
	_ =	strace s9  }
0x27: {  	s1 =	sld [smem:$0x3FB0]  }
0x28: {  	s2 =	sld [smem:$0x3FB1]  }
0x29: {  	s4 =	sld [smem:$0x3FB3]  }
0x2a: {  	p0 =	seq.s32 s5, $0x0;
	s5 =	sld [smem:$0x3FB4]  }
0x2b: {  	s6 =	sld [smem:$0x3FB5]  }
0x2c: {  	s7 =	sld [smem:$0x3FB6]  }
0x2d: {  	s3 =	simm.s32 $0x108;
	s8 =	sld [smem:$0x3FB7]  }
0x2e: {  	s3 =	simm.s32 @!p0 $0x1082;
	s9 =	sld [smem:$0x3FB8]  }
0x2f: {  	lr =	sadd.s32 s0, s3;
	s0 =	sld [smem:$0x3FAF]  }
0x30: {  	s3 =	sld [smem:$0x3FB2]  }
0x31: {  	[smem:$0x3FBB] =	sst s10  }
0x32: {  	s10 =	sld [smem:$0x3FB9];
	_ =	sdelay $0x3  }
0x33: {  	p0 =	seq.s32 s10, $0x1;
	s10 =	sld [smem:$0x3FBB];
	_ =	sdelay $0x3  }
0x34: {  	[smem:$0x3FBB] =	sst s10  }
0x35: {  	s10 =	sld [smem:$0x3FBA];
	_ =	sdelay $0x3  }
0x36: {  	p1 =	seq.s32 s10, $0x1;
	s10 =	sld [smem:$0x3FBB];
	_ =	sdelay $0x3  }
0x37: {  	[smem:$0x3FBB] =	sst s10  }
0x38: {  	s10 =	sld [smem:$0x3FBC]  }
0x39: {  	_ = 	snop;
	(pc) =	sbr.ind lr, $3  }
0x3a: {  	_ = 	snop  }
0x3b: {  	_ = 	snop  }
0x3c: {  	p2 =	seq.s32 s10, $0x1;
	s10 =	sld [smem:$0x3FBB]  }
0x3d: {  	_ =	shalt  }
0x3e: {  	_ =	shalt  }
0x3f: {  	_ =	shalt  }
0x40: {  	_ =	shalt  }
0x41: {  	_ =	shalt  }
0x42: {  	_ =	shalt  }
0x43: {  	_ =	shalt  }
0x44: {  	_ =	shalt  }
0x45: {  	_ =	shalt  }
0x46: {  	_ =	shalt  }
0x47: {  	_ =	shalt  }
0x48: {  	_ =	shalt  }
0x49: {  	_ =	shalt  }
0x4a: {  	_ =	shalt  }
0x4b: {  	_ =	shalt  }
0x4c: {  	_ =	shalt  }
0x4d: {  	_ =	shalt  }
0x4e: {  	_ =	shalt  }
0x4f: {  	_ =	shalt  }
0x50: {  	_ =	shalt  }
0x51: {  	_ =	shalt  }
0x52: {  	_ =	shalt  }
0x53: {  	_ =	shalt  }
0x54: {  	_ =	shalt  }
0x55: {  	_ =	shalt  }
0x56: {  	_ =	shalt  }
0x57: {  	_ =	shalt  }
0x58: {  	_ =	shalt  }
0x59: {  	_ =	shalt  }
0x5a: {  	_ =	shalt  }
0x5b: {  	_ =	shalt  }
0x5c: {  	_ =	shalt  }
0x5d: {  	_ =	shalt  }
0x5e: {  	_ =	shalt  }
0x5f: {  	_ =	shalt  }
0x60: {  	_ =	shalt  }
0x61: {  	_ =	shalt  }
0x62: {  	_ =	shalt  }
0x63: {  	_ =	shalt  }
0x64: {  	_ =	shalt  }
0x65: {  	_ =	shalt  }
0x66: {  	_ =	shalt  }
0x67: {  	_ =	shalt  }
0x68: {  	_ =	shalt  }
0x69: {  	_ =	shalt  }
0x6a: {  	_ =	shalt  }
0x6b: {  	_ =	shalt  }
0x6c: {  	_ =	shalt  }
0x6d: {  	_ =	shalt  }
0x6e: {  	_ =	shalt  }
0x6f: {  	_ =	shalt  }
0x70: {  	_ =	shalt  }
0x71: {  	_ =	shalt  }
0x72: {  	_ =	shalt  }
0x73: {  	_ =	shalt  }
0x74: {  	_ =	shalt  }
0x75: {  	_ =	shalt  }
0x76: {  	_ =	shalt  }
0x77: {  	_ =	shalt  }
0x78: {  	_ =	shalt  }
0x79: {  	_ =	shalt  }
0x7a: {  	_ =	shalt  }
0x7b: {  	_ =	shalt  }
0x7c: {  	_ =	shalt  }
0x7d: {  	_ =	shalt  }
0x7e: {  	_ =	shalt  }
0x7f: {  	_ =	shalt  }
0x80: {  	_ =	shalt  }
0x81: {  	_ =	shalt  }
0x82: {  	_ =	shalt  }
0x83: {  	_ =	shalt  }
0x84: {  	_ =	shalt  }
0x85: {  	_ =	shalt  }
0x86: {  	_ =	shalt  }
0x87: {  	_ =	shalt  }
.Lfunc_end0:
.L_simem_size_0:
called_computation_lowered:
.L_overlay_start_0:
0x88: {  	s2 =	sld [smem:$0x3FD9]  }
0x89: {  	s3 =	sld [smem:$0x3FFE];
	_ =	sdelay $0x1  }
0x8a: {  	s1 =	srdreg.scid  }
0x8b: {  	s0 =	sand.u32 $0x1, s1  }
0x8c: {  	s14 =	sshll.u32 s0, $0xA;
	s2 =	sadd.s32 s3, s2  }
0x8d: {  	s2 =	sadd.s32 s2, s14  }
0x8e: {  	[smem:$0x3FC7] =	sst s2  }
0x8f: {  	_ = 	snop  }
0x90: {  	s2 =	sld [smem:$0x3FD0];
	_ =	sdelay $0x2  }
0x91: {  	s15 =	simm.s32 $0xA;
	s4 =	simm.s32 $0x10  }
0x92: {  	[smem:s4], [sflag:s15] =	dma.local [hbm:s2], $0x1  }
0x93: {  	_ =	swait.eq [sflag:s15], $0x1  }
0x94: {  	[sflag:s15] =	ssyncset.done $0x0  }
0x95: {  	s16 =	sld [smem:$0x10];
	[sflag:s15] =	ssyncadd.s32 $0xFFFFFFFF  }
0x96: {  	s17 =	sld [smem:$0x11];
	(tm) =	ssettm $0x1  }
0x97: {  	s18 =	sld [smem:$0x3FFB];
	_ =	sdelay $0x3  }
0x98: {  	_ =	strace s18  }
0x99: {  	s4 =	sld [smem:$0x3FFC];
	_ =	sdelay $0x3  }
0x9a: {  	_ =	strace s4  }
0x9b: {  	s4 =	sld [smem:$0x3FFD];
	_ =	sdelay $0x3  }
0x9c: {  	_ =	strace s4  }
0x9d: {  	_ =	strace $0x8FFFFFFF  }
0x9e: {  	s19 =	sld [smem:$0x3FDB];
	_ =	sdelay $0x1  }
0x9f: {  	s5 =	simm.s32 $_scs_section_size  }
0xa0: {  	s6 =	simm.s32 $_size__tile_overlayer_lowered;
	s7 =	simm.s32 $_tile_overlayer_lowered  }
0xa1: {  	s22 =	simm.s32 $0x1BFF;
	s21 =	sshll.u32 s7, $0x1;
	s4 =	sadd.s32 s5, s19  }
0xa2: {  	s8 =	simm.s32 $0x0;
	s20 =	sshll.u32 s6, $0x1;
	s6 =	sadd.s32 s21, s4  }
0xa3: {  	[timem:s8], [sflag:s22] =	dma.local [hbm:s6], s20  }
0xa4: {  	_ =	swait.ge [sflag:s22], s20  }
0xa5: {  	s5 =	ssub.s32 $0x0, s20;
	[sflag:s22] =	ssyncset.done $0x0  }
0xa6: {  	[sflag:s22] =	ssyncadd.s32 s5;
	_ =	sdelay $0x1  }
0xa7: {  	s23 =	simm.s32 $0x1B8B  }
0xa8: {  	_ =	swait.ge [sflag:s23], $0x1  }
0xa9: {  	[sflag:s23] =	ssyncset.done $0x0  }
0xaa: {  	s25 =	simm.s32 $0x1B8E;
	s24 =	sld [smem:$0x3FFE];
	[sflag:s23] =	ssyncadd.s32 $0xFFFFFFFF  }
0xab: {  	s26 =	simm.s32 $execute0_lowered;
	[smem:$0x3FD2] =	sst s25  }
0xac: {  	s6 =	sshll.u32 s26, $0x1;
	_ =	strace $0x80000046;
	[dreg:$0x1] =	wrdreg $0xFFFFFFFF  }
0xad: {  	s28 =	simm.s32 $_size_execute0_lowered;
	s4 =	sadd.s32 s4, s6;
	[dreg:$0x0] =	wrdreg $0x0  }
0xae: {  	s6 =	sshll.u32 s28, $0x1;
	[dreg:$0x2] =	wrdreg s4  }
0xaf: {  	[dreg:$0x3] =	wrdreg s6  }
0xb0: {  	[dreg:$0x4] =	wrdreg $0xC0  }
0xb1: {  	_ =	task [dreg:s8], $0x5FFFF  }
0xb2: {  	[dreg:$0x1] =	wrdreg $0xFFFFFFFF  }
0xb3: {  	[dreg:$0x0] =	wrdreg $0x60  }
0xb4: {  	[dreg:$0x2] =	wrdreg s24  }
0xb5: {  	[dreg:$0x3] =	wrdreg s16  }
0xb6: {  	[dreg:$0x4] =	wrdreg s17  }
0xb7: {  	[dreg:$0x5] =	wrdreg $0x82300  }
0xb8: {  	[dreg:$0x6] =	wrdreg $0x9  }
0xb9: {  	_ =	task.clear_ibuf [dreg:s8], $0x7FFFF;
	_ =	strace $0x90000046  }
0xba: {  	s29 =	simm.s32 $0x9;
	_ =	strace $0x80000048  }
0xbb: {  	_ =	swait.ge [sflag:s29], $0x1  }
0xbc: {  	[sflag:s29] =	ssyncadd.s32 $0xFFFFFFFF  }
0xbd: {  	_ =	strace $0x90000048  }
0xbe: {  	_ =	sfence  }
0xbf: {  	s30 =	sld [smem:$0x0];
	_ =	sdelay $0x2  }
0xc0: {  	s31 =	sshll.u32 s1, $0xD;
	s1 =	sshrl.u32 s1, $0x2  }
0xc1: {  	s3 =	sand.u32 $0x4000, s31;
	s1 =	sadd.s32 s1, s30  }
0xc2: {  	s0 =	sor.u32 s3, s0;
	s1 =	sshll.u32 s1, $0x11  }
0xc3: {  	s0 =	sor.u32 s1, s0  }
0xc4: {  	s0 =	sadd.s32 $0x8F2B, s0  }
0xc5: {  	[sflag:s0] =	ssyncadd.remote.s32 $0x1  }
0xc6: {  	_ =	sfence.sel $0xFFFF  }
0xc7: {  	[dreg:$0x0] =	wrdreg $0xFFFFFFFF;
	(pc) =	sbr.abs _section_cstart, $3  }
0xc8: {  	[dreg:$0x1] =	wrdreg $0xFFFFFFFF  }
0xc9: {  	_ =	task.clear_ibuf [dreg:s8], $0x2FFFF;
	_ =	strace $0x9FFFFFFF  }
0xca: {  	(tm) =	ssettm $0x7FFFFFFF  }
0xcb: {  	_ =	shalt  }
tec
execute0_lowered:
.L_overlay_start_1:
0x0: {  	(tag) =	ssettag $0x1  }
0x1: {  	s5 =	rddreg [dreg:$0x0]  }
0x2: {  	s8 =	rddreg [dreg:$0x1]  }
0x3: {  	s6 =	rddreg [dreg:$0x2]  }
0x4: {  	s0 =	srdreg.scid;
	s2 =	rddreg [dreg:$0x3]  }
0x5: {  	s1 =	stileid.u32;
	s3 =	simm.s32 $0x0;
	s15 =	simm.s32 $0x4E20  }
0x6: {  	s16 =	simm.s32 $0x7A30;
	s17 =	simm.s32 $0x2;
	s18 =	simm.s32 $0x50  }
0x7: {  	s19 =	simm.s32 $0x7530;
	s20 =	simm.s32 $0x1;
	s21 =	simm.s32 $0x3  }
0x8: {  	s4 =	sand.u32 $0x1, s0;
	s0 =	rddreg [dreg:$0x4];
	s10 =	smul.u32 $0x9C80, s1  }
0x9: {  	[smem:$0x7FF] =	sst s3;
	s31 =	smul.u32 $0x2720, s1;
	s14 =	sadd.s32 $0xA640, s5  }
0xa: {  	s7 =	sshll.u32 s4, $0x4;
	s29 =	ssub.s32 $0x2, s4;
	_ =	strace $0x80000047  }
0xb: {  	s12 =	smul.u32 $0x4E40, s4;
	s7 =	sor.u32 s1, s7;
	s9 =	sshrl.u32 s29, $0x1  }
0xc: {  	s30 =	sshrl.u32 s10, $0x2;
	s23 =	sshrl.u32 s31, $0x3;
	s24 =	sadd.s32 s31, s2  }
0xd: {  	s13 =	smul.u32 $0x4E2, s7;
	s9 =	ssub.s32 s29, s9;
	s22 =	sadd.s32 s8, s12  }
0xe: {  	s12 =	simm.s32 $0x4;
	s8 =	smax.u32 s9, $0x1;
	s22 =	sadd.s32 s23, s22  }
0xf: {  	s23 =	sshrl.u32 s24, $0x3;
	s24 =	simm.s32 $0x0;
	s11 =	sadd.s32 s13, s5  }
0x10: {  	s5 =	sadd.s32 s6, s13;
	s6 =	sadd.s32 s30, s2;
	s13 =	sadd.s32 s13, s14  }
0x11: {  	v0 =	vimm.f32 $0.0e+00;
	vm0 =	vcmask $0x300;
	s14 =	simm.s32 $0x2710;
	s4 =	sadd.s32 $0xA00, s11;
	s7 =	sadd.s32 $0x2000, s6  }
0x12: {  	v1 =	vsel vm0, $0x3F800000, v0;
	s9 =	sadd.s32 $0x800, s6;
	s10 =	sadd.s32 $0x1000, s6;
	s11 =	sadd.s32 $0x1800, s6  }
.LBB2_1:
0x13: {  	[tilespmem:s3], [sflag:$0x4] =	stream.linear.gather [hbm4b:s4+s3], $0x2710, $0x38;
	[tilespmem:$0xA950] =	vst v63  }
0x14: {  	_ =	swait.ge [sflag:s12], $0x2710  }
0x15: {  	[sflag:s12] =	ssyncset.done $0x0  }
0x16: {  	[sflag:s12] =	ssyncadd.s32 $0xFFFFD8F0  }
0x17: {  	[tilespmem:s14], [sflag:$0x4] =	stream.linear.gather [hbm4b:s13+s3], $0x2710, $0x38;
	[tilespmem:$0xA950] =	vst v63  }
0x18: {  	_ =	swait.ge [sflag:s12], $0x2710  }
0x19: {  	[sflag:s12] =	ssyncset.done $0x0  }
0x1a: {  	s25 =	simm.s32 $0x40;
	[sflag:s12] =	ssyncadd.s32 $0xFFFFD8F0  }
0x1b: {  	v3 =	vld [tilespmem:s25+$0x0]  }
0x1c: {  	v6 =	vld [tilespmem:s25+$0x2710]  }
0x1d: {  	v7 =	vld [tilespmem:s25+$0xFFFFFFC0]  }
0x1e: {  	v8 =	vld [tilespmem:s25+$0x26D0]  }
0x1f: {  	v9 =	vld [tilespmem:s25+$0xFFFFFFD0]  }
0x20: {  	v5 =	vld [tilespmem:s25+$0x26E0]  }
0x21: {  	v2 =	vld [tilespmem:s25+$0xFFFFFFE0]  }
0x22: {  	v4 =	vld [tilespmem:s25+$0x26F0];
	vm0 =	veq.s32 v3, v6  }
0x23: {  	v3 =	vld [tilespmem:s25+$0xFFFFFFF0];
	v6 =	vsel vm0, $0x2710, v6;
	vm0 =	veq.s32 v7, v8  }
0x24: {  	s26 =	simm.s32 $0x90;
	v7 =	vld [tilespmem:s25+$0x2700];
	[tilespmem:s25+$0x4E20] =	vst v6;
	v8 =	vsel vm0, $0x2710, v8  }
0x25: {  	s28 =	simm.s32 $0x380;
	vm0 =	veq.s32 v9, v5;
	v6 =	vld [tilespmem:s26+$0x0];
	[tilespmem:s25+$0x4DE0] =	vst v8  }
.LBB2_2:
0x26: {  	p0 =	sne.s32 s28, $0x9C00;
	v8 =	vld [tilespmem:s26+$0x2710];
	v5 =	vsel vm0, $0x2710, v5  }
0x27: {  	v9 =	vld [tilespmem:s26+$0xFFFFFFC0];
	[tilespmem:s25+$0x4DF0] =	vst v5;
	vm0 =	veq.s32 v2, v4  }
0x28: {  	v10 =	vld [tilespmem:s26+$0x26D0];
	v2 =	vsel vm0, $0x2710, v4  }
0x29: {  	v11 =	vld [tilespmem:s26+$0xFFFFFFD0];
	[tilespmem:s25+$0x4E00] =	vst v2;
	vm0 =	veq.s32 v3, v7  }
0x2a: {  	v5 =	vld [tilespmem:s26+$0x26E0];
	v3 =	vsel vm0, $0x2710, v7  }
.Ltmp0:
0x2b: {  	v2 =	vld [tilespmem:s26+$0xFFFFFFE0];
	vm0 =	veq.s32 v6, v8;
	[tilespmem:s25+$0x4E10] =	vst v3;
	s25 =	smov.u32 s26;
	(pc) =	sbr.rel @p0 .LBB2_2-.Ltmp0, $4  }
0x2c: {  	v4 =	vld [tilespmem:s25+$0x26F0];
	v6 =	vsel vm0, $0x2710, v8  }
0x2d: {  	vm0 =	veq.s32 v9, v10;
	v3 =	vld [tilespmem:s25+$0xFFFFFFF0];
	[tilespmem:s25+$0x4E20] =	vst v6  }
0x2e: {  	s26 =	sshra.s32 s28, $0x2;
	v8 =	vsel vm0, $0x2710, v10;
	v7 =	vld [tilespmem:s25+$0x2700]  }
0x2f: {  	s28 =	sadd.s32 $0x140, s28;
	v6 =	vld [tilespmem:s26+$0x0];
	[tilespmem:s25+$0x4DE0] =	vst v8;
	vm0 =	veq.s32 v11, v5  }
0x30: {  	v8 =	vld [tilespmem:s26+$0x2710];
	v5 =	vsel vm0, $0x2710, v5  }
0x31: {  	v9 =	vld [tilespmem:s26+$0xFFFFFFC0];
	[tilespmem:s25+$0x4DF0] =	vst v5;
	vm9 =	veq.s32 v2, v4  }
0x32: {  	v2 =	vld [tilespmem:s26+$0x26D0];
	v4 =	vsel vm9, $0x2710, v4  }
0x33: {  	v5 =	vld [tilespmem:s26+$0xFFFFFFD0];
	[tilespmem:s25+$0x4E00] =	vst v4;
	vm10 =	veq.s32 v3, v7  }
0x34: {  	v3 =	vld [tilespmem:s26+$0x26E0];
	v60 =	vsel vm10, $0x2710, v7  }
0x35: {  	v61 =	vld [tilespmem:s26+$0xFFFFFFE0];
	[tilespmem:s25+$0x4E10] =	vst v60  }
0x36: {  	v4 =	vld [tilespmem:s26+$0x26F0]  }
0x37: {  	v62 =	vld [tilespmem:s26+$0xFFFFFFF0]  }
0x38: {  	v63 =	vld [tilespmem:s26+$0x2700]  }
0x39: {  	vm11 =	veq.s32 v6, v8  }
0x3a: {  	v6 =	vsel vm11, $0x2710, v8;
	vm12 =	veq.s32 v9, v2  }
0x3b: {  	[tilespmem:s26+$0x4E20] =	vst v6;
	v2 =	vsel vm12, $0x2710, v2;
	vm13 =	veq.s32 v5, v3  }
0x3c: {  	[tilespmem:s26+$0x4DE0] =	vst v2;
	v2 =	vsel vm13, $0x2710, v3;
	vm14 =	veq.s32 v61, v4  }
0x3d: {  	[tilespmem:s26+$0x4DF0] =	vst v2;
	vm15 =	veq.s32 v62, v63;
	v2 =	vsel vm14, $0x2710, v4  }
0x3e: {  	[tilespmem:s26+$0x4E00] =	vst v2;
	v2 =	vsel vm15, $0x2710, v63  }
0x3f: {  	s31 =	simm.s32 $0x0;
	s25 =	simm.s32 $0x40;
	[tilespmem:s26+$0x4E10] =	vst v2;
	s26 =	simm.s32 $0x0  }
0x40: {  	[hbm4b:s5+s31] =	stream.linear.scatter [tilespmem:s15], [sflag:$0x3], $0x2710, $0x38;
	[tilespmem:$0xA950] =	vst v63  }
.LBB2_4:
0x41: {  	p0 =	sne.s32 s25, $0x13C0;
	[tilespmem:s26+$0x7530] =	vst v1;
	s26 =	smov.u32 s25;
	s25 =	sadd.s32 $0x40, s25  }
.Ltmp1:
0x42: {  	(pc) =	sbr.rel @p0 .LBB2_4-.Ltmp1, $2  }
0x43: {  	_ =	sdelay $0x2  }
0x44: {  	s26 =	sshra.s32 s26, $0x2  }
0x45: {  	[tilespmem:s26+$0x7530] =	vst v1;
	s25 =	simm.s32 $0x40;
	s26 =	simm.s32 $0x0  }
.LBB2_6:
0x46: {  	p0 =	sne.s32 s25, $0x1FC0;
	[tilespmem:s26+$0x7A30] =	vst v0;
	s26 =	smov.u32 s25;
	s25 =	sadd.s32 $0x40, s25  }
.Ltmp2:
0x47: {  	(pc) =	sbr.rel @p0 .LBB2_6-.Ltmp2, $2  }
0x48: {  	_ =	sdelay $0x2  }
0x49: {  	s26 =	sshra.s32 s26, $0x2  }
0x4a: {  	[tilespmem:s26+$0x7A30] =	vst v0  }
0x4b: {  	[spmem:s6] =	stream.linear.scatter [tilespmem:s16], [sflag:$0x2], $0x800, $0x38;
	[tilespmem:$0xA950] =	vst v63  }
0x4c: {  	_ = 	snop  }
0x4d: {  	[spmem:s9] =	stream.linear.scatter [tilespmem:s16], [sflag:$0x2], $0x800, $0x38;
	[tilespmem:$0xA950] =	vst v63  }
0x4e: {  	_ = 	snop  }
0x4f: {  	[spmem:s10] =	stream.linear.scatter [tilespmem:s16], [sflag:$0x2], $0x800, $0x38;
	[tilespmem:$0xA950] =	vst v63  }
0x50: {  	_ = 	snop  }
0x51: {  	[spmem:s11] =	stream.linear.scatter [tilespmem:s16], [sflag:$0x2], $0x800, $0x38;
	[tilespmem:$0xA950] =	vst v63  }
0x52: {  	_ = 	snop  }
0x53: {  	[spmem:s7] =	stream.linear.scatter [tilespmem:s16], [sflag:$0x2], $0x720, $0x38;
	[tilespmem:$0xA950] =	vst v63  }
0x54: {  	_ =	swait.ge [sflag:s17], $0x800  }
0x55: {  	[sflag:s17] =	ssyncset.done $0x0  }
0x56: {  	[sflag:s17] =	ssyncadd.s32 $0xFFFFF800  }
0x57: {  	_ =	swait.ge [sflag:s17], $0x800  }
0x58: {  	[sflag:s17] =	ssyncset.done $0x0  }
0x59: {  	[sflag:s17] =	ssyncadd.s32 $0xFFFFF800  }
0x5a: {  	_ =	swait.ge [sflag:s17], $0x800  }
0x5b: {  	[sflag:s17] =	ssyncset.done $0x0  }
0x5c: {  	[sflag:s17] =	ssyncadd.s32 $0xFFFFF800  }
0x5d: {  	_ =	swait.ge [sflag:s17], $0x800  }
0x5e: {  	[sflag:s17] =	ssyncset.done $0x0  }
0x5f: {  	[sflag:s17] =	ssyncadd.s32 $0xFFFFF800  }
0x60: {  	_ =	swait.ge [sflag:s17], $0x720  }
0x61: {  	[sflag:s17] =	ssyncset.done $0x0  }
0x62: {  	[sflag:s17] =	ssyncadd.s32 $0xFFFFF8E0  }
0x63: {  	s25 =	simm.s32 $0x0;
	[bflag:$0x0] =	sbarrier.arrive $0xFFFF  }
.LBB2_8:
0x64: {  	p0 =	sne.s32 s25, $0x9B00  }
.Ltmp3:
0x65: {  	_ = 	snop;
	(pc) =	sbr.rel @p0 .LBB2_8-.Ltmp3, $4  }
0x66: {  	_ = 	snop  }
0x67: {  	s26 =	sshra.s32 s25, $0x2  }
0x68: {  	s25 =	sadd.s32 $0x140, s25;
	s26 =	sadd.s32 $0x4E20, s26  }
0x69: {  	[spmem:s2] =	stream.indirect.scatter.add.f32 [tilespmem:s19], [sflag:$0x1], $0x10, s26, s18, $0xb8;
	[tilespmem:$0xA950] =	vst v63  }
0x6a: {  	_ =	swait.ge [sflag:s20], $0x500  }
0x6b: {  	s25 =	simm.s32 $0x7C;
	[sflag:s20] =	ssyncset.done $0x0  }
.LBB2_10:
0x6c: {  	p0 =	sne.s32 s25, $0x1;
	s25 =	sadd.s32 $0xFFFFFFFF, s25;
	[sflag:s20] =	ssyncadd.s32 $0xFFFFFB00  }
.Ltmp4:
0x6d: {  	(pc) =	sbr.rel @p0 .LBB2_10-.Ltmp4, $3  }
0x6e: {  	_ =	sdelay $0x1  }
0x6f: {  	_ =	swait.ge [sflag:s20], $0x500  }
0x70: {  	[sflag:s20] =	ssyncset.done $0x0  }
0x71: {  	[sflag:s20] =	ssyncadd.s32 $0xFFFFFB00  }
0x72: {  	_ =	swait.ge [sflag:s21], $0x2710  }
0x73: {  	s24 =	sadd.s32 $0x1, s24;
	[sflag:s21] =	ssyncset.done $0x0  }
0x74: {  	s25 =	sshll.u32 s1, $0x6;
	p0 =	sne.s32 s24, s8;
	[sflag:s21] =	ssyncadd.s32 $0xFFFFD8F0  }
.Ltmp5:
0x75: {  	s25 =	sor.u32 $0x1C04, s25;
	[bflag:$0x0] =	sbarrier.arrive $0xFFFF;
	(pc) =	sbr.rel @p0 .LBB2_1-.Ltmp5, $4  }
0x76: {  	[hbm:s22], [sflag:s25] =	dma.local [spmem:s23], $0x4E4  }
0x77: {  	_ =	swait.ge [sflag:s12], $0x4E4  }
0x78: {  	[sflag:s12] =	ssyncset.done $0x0  }
0x79: {  	[sflag:s12] =	ssyncadd.s32 $0xFFFFFB1C  }
0x7a: {  	_ =	sfence.sel $0x180000  }
0x7b: {  	[bflag:$0x0] =	sbarrier.arrive $0xFFFF  }
0x7c: {  	p0 =	sne.s32 s1, $0x0;
	_ =	strace $0x90000047  }
0x7d: {  	s0 =	sadd.s32 @!p0 $0x100000, s0;
	[bflag:$0x2] =	sbarrier.arrive $0xFFFF  }
0x7e: {  	[sflag:s0] =	ssyncadd.tile.s32 @!p0 $0x1;
	_ =	shalt  }
.Lfunc_end2:
_tile_overlayer_lowered:
.L_overlay_start_2:
0x7f: {  	(tag) =	ssettag $0x2  }
0x80: {  	s0 =	rddreg [dreg:$0x0];
	s2 =	stileid.u32  }
0x81: {  	s1 =	rddreg [dreg:$0x1];
	p0 =	sne.s32 s2, $0x0  }
0x82: {  	s3 =	rddreg [dreg:$0x2];
	[bflag:$0x3] =	sbarrier.arrive $0xFFFF;
	s2 =	simm.s32 @!p0 $0x1C04  }
0x83: {  	[timem:s3], [sflag:s2] =	dma.local @!p0 [hbm:s0], s1  }
0x84: {  	s0 =	simm.s32 @!p0 $0x4  }
0x85: {  	_ =	swait.ge @!p0 [sflag:s0], s1  }
0x86: {  	s1 =	ssub.s32 @!p0 $0x0, s1;
	[sflag:s0] =	ssyncset.done @!p0 $0x0  }
0x87: {  	[sflag:s0] =	ssyncadd.s32 @!p0 s1  }
0x88: {  	[bflag:$0x3] =	sbarrier.arrive $0xFFFF  }
0x89: {  	_ =	shalt  }

</sc_bundles>
